<compile_context>
chip_gen: v7x
topology: tpu7x:2x2x1
jax: 0.10.2.dev20260603
libtpu: 0.0.44.dev20260713+nightly
codegen_flags: <defaults>
</compile_context>

<pallas_src>
import functools

import jax
import jax.numpy as jnp
from jax import lax
from jax.experimental import pallas as pl
from jax.experimental.pallas import tpu as pltpu
from jax.experimental.pallas import tpu_sc as plsc

_COLOR_W = 1.0
_DIST_W = 1.0
_SDF_W = 1.0

_B = 4
_N = 2048
_R = 2048

_NC = 2
_NS = 16
_NW = _NC * _NS
_L = 16
_S = (_B * _N) // _NW


def _dist_kernel(pp_ref, rpt_ref, chamx_ref, chamy_ref, idx_ref):
    b = pl.program_id(0)

    x = pp_ref[0]
    y = rpt_ref[0]

    xy2 = jnp.dot((x + x).astype(jnp.bfloat16), y.astype(jnp.bfloat16),
                  preferred_element_type=jnp.float32)
    x2 = x[:, 0:1] ** 2 + x[:, 1:2] ** 2 + x[:, 2:3] ** 2
    y2 = y[0:1, :] ** 2 + y[1:2, :] ** 2 + y[2:3, :] ** 2
    d2 = (x2 + y2) - xy2

    rowmin_sum = jnp.sum(jnp.maximum(jnp.min(d2, axis=1), 0.0))

    colmin = jnp.min(d2, axis=0)
    eqb = (d2 == colmin[None, :]).astype(jnp.bfloat16)
    rid = lax.broadcasted_iota(jnp.int32, (1, _R), 1)
    hi = (rid >> 8) << 8
    w = jnp.concatenate([hi.astype(jnp.float32),
                         (rid - hi).astype(jnp.float32)],
                        axis=0).astype(jnp.bfloat16)
    acc2 = jnp.dot(w, eqb, preferred_element_type=jnp.float32)
    colidx = acc2[0] + acc2[1]

    chamx_ref[...] = jnp.full((1, 1, 1), rowmin_sum, jnp.float32)
    chamy_ref[...] = jnp.full((1, 1, 1),
                              jnp.sum(jnp.maximum(colmin, 0.0)), jnp.float32)
    idx_ref[0, 0, :] = (jnp.clip(colidx, 0.0,
                                 jnp.float32(_N - 1)).astype(jnp.int32)
                        + b * _N)


_dist_call = pl.pallas_call(
    _dist_kernel,
    grid=(_B,),
    in_specs=[
        pl.BlockSpec((1, _R, 3), lambda b: (b, 0, 0)),
        pl.BlockSpec((1, 3, _N), lambda b: (b, 0, 0)),
    ],
    out_specs=[
        pl.BlockSpec((1, 1, 1), lambda b: (b, 0, 0)),
        pl.BlockSpec((1, 1, 1), lambda b: (b, 0, 0)),
        pl.BlockSpec((1, 1, _N), lambda b: (b, 0, 0)),
    ],
    out_shape=[
        jax.ShapeDtypeStruct((_B, 1, 1), jnp.float32),
        jax.ShapeDtypeStruct((_B, 1, 1), jnp.float32),
        jax.ShapeDtypeStruct((_B, 1, _N), jnp.int32),
    ],
    compiler_params=pltpu.CompilerParams(
        dimension_semantics=("parallel",)),
)


@functools.lru_cache(maxsize=1)
def _make_gather_l1():
    mesh = plsc.VectorSubcoreMesh(core_axis_name="c", subcore_axis_name="s",
                                  num_cores=_NC)
    n_pts = _B * _N

    @functools.partial(
        pl.kernel,
        mesh=mesh,
        out_type=jax.ShapeDtypeStruct((2 * _NW, _L), jnp.float32),
        scratch_types=[
            pltpu.VMEM((_S,), jnp.int32),
            pltpu.VMEM((n_pts,), jnp.float32),
            pltpu.VMEM((3 * n_pts,), jnp.float32),
            pltpu.VMEM((_S,), jnp.float32),
            pltpu.VMEM((3 * _S,), jnp.float32),
            pltpu.VMEM((_L,), jnp.float32),
            pltpu.VMEM((_L,), jnp.float32),
            pltpu.SemaphoreType.DMA,
        ],
        compiler_params=pltpu.CompilerParams(use_tc_tiling_on_sc=False,
                                             needs_layout_passes=False),
    )
    def gather_l1(rs_hbm, rc_hbm, ps_hbm, pc_hbm, idx_hbm, out_hbm,
                  idx_v, rs_v, rc_v, ps_v, pc_v, accs_v, accc_v, sem):
        wid = lax.axis_index("s") * _NC + lax.axis_index("c")
        base = wid * _S
        cps = pltpu.async_copy(idx_hbm.at[pl.ds(base, _S)], idx_v, sem)
        cp0 = pltpu.async_copy(rs_hbm, rs_v, sem)
        cp1 = pltpu.async_copy(rc_hbm, rc_v, sem)
        cp2 = pltpu.async_copy(ps_hbm.at[pl.ds(base, _S)], ps_v, sem)
        cp3 = pltpu.async_copy(pc_hbm.at[pl.ds(3 * base, 3 * _S)], pc_v, sem)
        cps.wait()
        cp0.wait()
        cp1.wait()
        cp2.wait()
        cp3.wait()

        accs_v[...] = jnp.zeros((_L,), jnp.float32)
        accc_v[...] = jnp.zeros((_L,), jnp.float32)
        lane = lax.iota(jnp.int32, _L)

        @pl.loop(0, _S // _L)
        def _(i):
            iv = idx_v[pl.ds(i * _L, _L)]
            s = plsc.load_gather(rs_v, [iv])
            accs_v[...] += jnp.abs(s - ps_v[pl.ds(i * _L, _L)])
            iv3 = iv * 3
            li3 = (lane + i * _L) * 3
            for d in range(3):
                c = plsc.load_gather(rc_v, [iv3 + d])
                p = plsc.load_gather(pc_v, [li3 + d])
                accc_v[...] += jnp.abs(c - p)

        pltpu.sync_copy(accs_v, out_hbm.at[2 * wid])
        pltpu.sync_copy(accc_v, out_hbm.at[2 * wid + 1])

    return gather_l1


def kernel(predicted_points, predicted_sdfs, predicted_colors,
           ref_points, ref_sdfs, ref_colors):
    pp = predicted_points.reshape(_B, _N, 3)
    ps = predicted_sdfs.reshape(_B * _N)
    pc = predicted_colors.reshape(3 * _B * _N)
    rp = ref_points.reshape(_B, _N, 3)
    rs = ref_sdfs.reshape(_B * _N)
    rc = ref_colors.reshape(3 * _B * _N)

    rpt = rp.transpose(0, 2, 1)

    chamx, chamy, idx = _dist_call(pp, rpt)
    flat_idx = idx.reshape(_B * _N)

    sums = _make_gather_l1()(rs, rc, ps, pc, flat_idx)
    lane_sums = jnp.sum(sums.reshape(_NW, 2, _L), axis=0)

    n_pts = _B * _N
    sdf_l1 = jnp.sum(lane_sums[0]) / n_pts
    color_l1 = jnp.sum(lane_sums[1]) / (n_pts * 3)
    chamfer = jnp.mean(chamx[:, 0, 0] + chamy[:, 0, 0]) / _N

    total = sdf_l1 * _SDF_W + color_l1 * _COLOR_W + chamfer * _DIST_W
    return (total, sdf_l1, color_l1, chamfer)

# --- scband reference (transcript-rebuilt; emitter-appended) ---
"""Pipeline reference for scband-chamfer-loss-12584254177841 (READ-ONLY COPY).

The authoritative reference and input builder live on the scoring server;
editing this copy changes nothing except your own understanding.
"""

import jax, jax.numpy as jnp
import numpy as np

COLOR_W = 1.0
DIST_W = 1.0
SDF_W = 1.0


def setup_inputs(seed: int = 0) -> dict:
    key = jax.random.key(seed)
    ks = jax.random.split(key, 6)
    B, N = 4, 2048
    return {
        "predicted_points": jax.random.normal(ks[0], (B, N, 3), dtype=jnp.float32),
        "predicted_sdfs": jax.random.normal(ks[1], (B, N), dtype=jnp.float32),
        "predicted_colors": jax.random.uniform(ks[2], (B, N, 3), dtype=jnp.float32),
        "ref_points": jax.random.normal(ks[3], (B, N, 3), dtype=jnp.float32),
        "ref_sdfs": jax.random.normal(ks[4], (B, N, 1), dtype=jnp.float32),
        "ref_colors": jax.random.uniform(ks[5], (B, N, 3), dtype=jnp.float32),
    }


def _pairwise_sqdist(x, y):
    # [B, N, M] squared euclidean distances via the matmul expansion
    x2 = jnp.sum(x * x, axis=-1)[:, :, None]
    y2 = jnp.sum(y * y, axis=-1)[:, None, :]
    xy = jnp.einsum('bnd,bmd->bnm', x, y)
    return jnp.maximum(x2 + y2 - 2.0 * xy, 0.0)


def reference(predicted_points, predicted_sdfs, predicted_colors, ref_points, ref_sdfs, ref_colors):
    pp = predicted_points.reshape(-1, *predicted_points.shape[-2:])
    ps = predicted_sdfs.reshape(-1, *predicted_sdfs.shape[-2:])
    pc = predicted_colors.reshape(-1, *predicted_colors.shape[-2:])
    rp = ref_points.reshape(-1, *ref_points.shape[-2:])
    rs = jnp.squeeze(ref_sdfs.reshape(-1, *ref_sdfs.shape[-2:]), -1)
    rc = ref_colors.reshape(-1, *ref_colors.shape[-2:])

    d2 = _pairwise_sqdist(pp, rp)  # [B, Np, Nr]
    # chamfer_distance (pytorch3d semantics: squared dists, point-mean, batch-mean)
    cham_x = jnp.mean(jnp.min(d2, axis=2), axis=1)
    cham_y = jnp.mean(jnp.min(d2, axis=1), axis=1)
    chamfer = jnp.mean(cham_x + cham_y)

    cdist = jnp.sqrt(d2)
    closest_ref_indices = jnp.argmin(cdist, axis=1)  # [B, Nr], indices into Np

    gathered_sdf = jnp.take_along_axis(rs, closest_ref_indices, axis=1)
    sdf_l1_loss = jnp.mean(jnp.abs(gathered_sdf - ps))

    idx3 = jnp.broadcast_to(closest_ref_indices[..., None], closest_ref_indices.shape + (3,))
    gathered_col = jnp.take_along_axis(rc, idx3, axis=1)
    color_l1_loss = jnp.mean(jnp.abs(gathered_col - pc))

    total = sdf_l1_loss * SDF_W + color_l1_loss * COLOR_W + chamfer * DIST_W
    return (total, sdf_l1_loss, color_l1_loss, chamfer)

if __name__ == "__main__":
    import jax
    _d = setup_inputs()
    print(jax.jit(kernel)(*tuple(_d.values())))

</pallas_src>

<mosaic_0001>
#map = affine_map<(d0, d1) -> (0)>
#map1 = affine_map<(d0, d1) -> (0, 0)>
module attributes {stable_mosaic.version = 14 : i64} {
  func.func @gather_l1(%arg0: i32, %arg1: i32, %arg2: memref<8192xf32, #tpu.memory_space<hbm>>, %arg3: memref<24576xf32, #tpu.memory_space<hbm>>, %arg4: memref<8192xf32, #tpu.memory_space<hbm>>, %arg5: memref<24576xf32, #tpu.memory_space<hbm>>, %arg6: memref<8192xi32, #tpu.memory_space<hbm>>, %arg7: memref<64x16xf32, #tpu.memory_space<hbm>>, %arg8: memref<256xi32, #tpu.memory_space<vmem>>, %arg9: memref<8192xf32, #tpu.memory_space<vmem>>, %arg10: memref<24576xf32, #tpu.memory_space<vmem>>, %arg11: memref<256xf32, #tpu.memory_space<vmem>>, %arg12: memref<768xf32, #tpu.memory_space<vmem>>, %arg13: memref<16xf32, #tpu.memory_space<vmem>>, %arg14: memref<16xf32, #tpu.memory_space<vmem>>, %arg15: memref<!tpu.dma_semaphore, #tpu.memory_space<semaphore_mem>>) attributes {dimension_semantics = [#tpu.dimension_semantics<core_parallel>, #tpu.dimension_semantics<subcore_parallel>], iteration_bounds = array<i64: 2, 16>, scalar_prefetch = 0 : i64, scratch_operands = 8 : i64, tpu.core_type = #tpu.core_type<sc_vector_subcore>, window_params = [{transform_indices = #map}, {transform_indices = #map}, {transform_indices = #map}, {transform_indices = #map}, {transform_indices = #map}, {transform_indices = #map1}]} {
    %mul3A = arith.constant 2 : i32
    %mul3A_0 = arith.muli %arg1, %mul3A : i32
    %add3A = arith.addi %mul3A_0, %arg0 : i32
    %mul3A_1 = arith.constant 256 : i32
    %mul3A_2 = arith.muli %add3A, %mul3A_1 : i32
    %dma_start3A = tpu.memref_slice %arg6[%mul3A_2] : memref<8192xi32, #tpu.memory_space<hbm>> -> memref<256xi32, #tpu.memory_space<hbm>>
    %dma_start3A_3 = tpu.memref_slice %arg6[%mul3A_2] : memref<8192xi32, #tpu.memory_space<hbm>> -> memref<256xi32, #tpu.memory_space<hbm>>
    tpu.enqueue_dma source(%dma_start3A_3 : memref<256xi32, #tpu.memory_space<hbm>>) target(%arg8 : memref<256xi32, #tpu.memory_space<vmem>>) target_semaphore(%arg15 : memref<!tpu.dma_semaphore, #tpu.memory_space<semaphore_mem>>)
    tpu.enqueue_dma source(%arg2 : memref<8192xf32, #tpu.memory_space<hbm>>) target(%arg9 : memref<8192xf32, #tpu.memory_space<vmem>>) target_semaphore(%arg15 : memref<!tpu.dma_semaphore, #tpu.memory_space<semaphore_mem>>)
    tpu.enqueue_dma source(%arg3 : memref<24576xf32, #tpu.memory_space<hbm>>) target(%arg10 : memref<24576xf32, #tpu.memory_space<vmem>>) target_semaphore(%arg15 : memref<!tpu.dma_semaphore, #tpu.memory_space<semaphore_mem>>)
    %dma_start3A_4 = tpu.memref_slice %arg4[%mul3A_2] : memref<8192xf32, #tpu.memory_space<hbm>> -> memref<256xf32, #tpu.memory_space<hbm>>
    %dma_start3A_5 = tpu.memref_slice %arg4[%mul3A_2] : memref<8192xf32, #tpu.memory_space<hbm>> -> memref<256xf32, #tpu.memory_space<hbm>>
    tpu.enqueue_dma source(%dma_start3A_5 : memref<256xf32, #tpu.memory_space<hbm>>) target(%arg11 : memref<256xf32, #tpu.memory_space<vmem>>) target_semaphore(%arg15 : memref<!tpu.dma_semaphore, #tpu.memory_space<semaphore_mem>>)
    %mul3A_6 = arith.constant 3 : i32
    %mul3A_7 = arith.muli %mul3A_6, %mul3A_2 : i32
    %dma_start3A_8 = tpu.memref_slice %arg5[%mul3A_7] : memref<24576xf32, #tpu.memory_space<hbm>> -> memref<768xf32, #tpu.memory_space<hbm>>
    %dma_start3A_9 = tpu.memref_slice %arg5[%mul3A_7] : memref<24576xf32, #tpu.memory_space<hbm>> -> memref<768xf32, #tpu.memory_space<hbm>>
    tpu.enqueue_dma source(%dma_start3A_9 : memref<768xf32, #tpu.memory_space<hbm>>) target(%arg12 : memref<768xf32, #tpu.memory_space<vmem>>) target_semaphore(%arg15 : memref<!tpu.dma_semaphore, #tpu.memory_space<semaphore_mem>>)
    %dma_wait3A = tpu.memref_slice %arg6[%mul3A_2] : memref<8192xi32, #tpu.memory_space<hbm>> -> memref<256xi32, #tpu.memory_space<hbm>>
    %dma_wait3A_10 = tpu.memref_slice %arg6[%mul3A_2] : memref<8192xi32, #tpu.memory_space<hbm>> -> memref<256xi32, #tpu.memory_space<hbm>>
    tpu.wait_dma2 semaphore(%arg15 : memref<!tpu.dma_semaphore, #tpu.memory_space<semaphore_mem>>) src(%dma_wait3A_10 : memref<256xi32, #tpu.memory_space<hbm>>) dst(%arg8 : memref<256xi32, #tpu.memory_space<vmem>>)
    tpu.wait_dma2 semaphore(%arg15 : memref<!tpu.dma_semaphore, #tpu.memory_space<semaphore_mem>>) src(%arg2 : memref<8192xf32, #tpu.memory_space<hbm>>) dst(%arg9 : memref<8192xf32, #tpu.memory_space<vmem>>)
    tpu.wait_dma2 semaphore(%arg15 : memref<!tpu.dma_semaphore, #tpu.memory_space<semaphore_mem>>) src(%arg3 : memref<24576xf32, #tpu.memory_space<hbm>>) dst(%arg10 : memref<24576xf32, #tpu.memory_space<vmem>>)
    %dma_wait3A_11 = tpu.memref_slice %arg4[%mul3A_2] : memref<8192xf32, #tpu.memory_space<hbm>> -> memref<256xf32, #tpu.memory_space<hbm>>
    %dma_wait3A_12 = tpu.memref_slice %arg4[%mul3A_2] : memref<8192xf32, #tpu.memory_space<hbm>> -> memref<256xf32, #tpu.memory_space<hbm>>
    tpu.wait_dma2 semaphore(%arg15 : memref<!tpu.dma_semaphore, #tpu.memory_space<semaphore_mem>>) src(%dma_wait3A_12 : memref<256xf32, #tpu.memory_space<hbm>>) dst(%arg11 : memref<256xf32, #tpu.memory_space<vmem>>)
    %dma_wait3A_13 = tpu.memref_slice %arg5[%mul3A_7] : memref<24576xf32, #tpu.memory_space<hbm>> -> memref<768xf32, #tpu.memory_space<hbm>>
    %dma_wait3A_14 = tpu.memref_slice %arg5[%mul3A_7] : memref<24576xf32, #tpu.memory_space<hbm>> -> memref<768xf32, #tpu.memory_space<hbm>>
    tpu.wait_dma2 semaphore(%arg15 : memref<!tpu.dma_semaphore, #tpu.memory_space<semaphore_mem>>) src(%dma_wait3A_14 : memref<768xf32, #tpu.memory_space<hbm>>) dst(%arg12 : memref<768xf32, #tpu.memory_space<vmem>>)
    %broadcast_in_dim3A = arith.constant 0.000000e+00 : f32
    %broadcast_in_dim3A_15 = vector.broadcast %broadcast_in_dim3A : f32 to vector<16xf32>
    %swap3A = arith.constant 0 : index
    %swap3A_16 = tpu.vector_load %arg13[%swap3A] {strides = array<i32>} : memref<16xf32, #tpu.memory_space<vmem>>, vector<16xf32>,
    tpu.vector_store %arg13[%swap3A], %broadcast_in_dim3A_15 {strides = array<i32>} : memref<16xf32, #tpu.memory_space<vmem>>, vector<16xf32>,
    %broadcast_in_dim3A_17 = arith.constant 0.000000e+00 : f32
    %broadcast_in_dim3A_18 = vector.broadcast %broadcast_in_dim3A_17 : f32 to vector<16xf32>
    %swap3A_19 = arith.constant 0 : index
    %swap3A_20 = tpu.vector_load %arg14[%swap3A_19] {strides = array<i32>} : memref<16xf32, #tpu.memory_space<vmem>>, vector<16xf32>,
    tpu.vector_store %arg14[%swap3A_19], %broadcast_in_dim3A_18 {strides = array<i32>} : memref<16xf32, #tpu.memory_space<vmem>>, vector<16xf32>,
    %iota3A = tpu.iota {dimensions = array<i32: 0>} : vector<16xi32>
    %scan3A = arith.constant 0 : i32
    %scan3A_21 = arith.constant 16 : i32
    %scan3A_22 = arith.addi %scan3A, %scan3A_21 : i32
    %scan3A_23 = arith.constant 1 : i32
    scf.for %scan3A_31 = %scan3A to %scan3A_22 step %scan3A_23  : i32 {
      %mul3A_32 = arith.constant 1 : i32
      %mul3A_33 = arith.muli %scan3A_31, %mul3A_32 : i32
      %add3A_34 = arith.constant 0 : i32
      %add3A_35 = arith.addi %add3A_34, %mul3A_33 : i32
      %mul3A_36 = arith.constant 16 : i32
      %mul3A_37 = arith.muli %add3A_35, %mul3A_36 : i32
      %get3A = arith.index_cast %mul3A_37 : i32 to index
      %get3A_38 = tpu.vector_load %arg8[%get3A] {strides = array<i32>} : memref<256xi32, #tpu.memory_space<vmem>>, vector<16xi32>,
      %gather3A = tpu.vector_load_idx %arg9[%get3A_38] : memref<8192xf32, #tpu.memory_space<vmem>>[vector<16xi32>], vector<16xf32>,
      %get3A_39 = arith.constant 0 : index
      %get3A_40 = tpu.vector_load %arg13[%get3A_39] {strides = array<i32>} : memref<16xf32, #tpu.memory_space<vmem>>, vector<16xf32>,
      %mul3A_41 = arith.constant 16 : i32
      %mul3A_42 = arith.muli %add3A_35, %mul3A_41 : i32
      %get3A_43 = arith.index_cast %mul3A_42 : i32 to index
      %get3A_44 = tpu.vector_load %arg11[%get3A_43] {strides = array<i32>} : memref<256xf32, #tpu.memory_space<vmem>>, vector<16xf32>,
      %sub3A = arith.subf %gather3A, %get3A_44 : vector<16xf32>
      %abs3A = math.absf %sub3A : vector<16xf32>
      %add3A_45 = arith.addf %get3A_40, %abs3A : vector<16xf32>
      %swap3A_46 = arith.constant 0 : index
      %swap3A_47 = tpu.vector_load %arg13[%swap3A_46] {strides = array<i32>} : memref<16xf32, #tpu.memory_space<vmem>>, vector<16xf32>,
      tpu.vector_store %arg13[%swap3A_46], %add3A_45 {strides = array<i32>} : memref<16xf32, #tpu.memory_space<vmem>>, vector<16xf32>,
      %mul3A_48 = arith.constant 3 : i32
      %mul3A_49 = vector.broadcast %mul3A_48 : i32 to vector<16xi32>
      %mul3A_50 = arith.muli %get3A_38, %mul3A_49 : vector<16xi32>
      %mul3A_51 = arith.constant 16 : i32
      %mul3A_52 = arith.muli %add3A_35, %mul3A_51 : i32
      %add3A_53 = vector.broadcast %mul3A_52 : i32 to vector<16xi32>
      %add3A_54 = arith.addi %iota3A, %add3A_53 : vector<16xi32>
      %mul3A_55 = arith.constant 3 : i32
      %mul3A_56 = vector.broadcast %mul3A_55 : i32 to vector<16xi32>
      %mul3A_57 = arith.muli %add3A_54, %mul3A_56 : vector<16xi32>
      %add3A_58 = arith.constant 0 : i32
      %add3A_59 = vector.broadcast %add3A_58 : i32 to vector<16xi32>
      %add3A_60 = arith.addi %mul3A_50, %add3A_59 : vector<16xi32>
      %gather3A_61 = tpu.vector_load_idx %arg10[%add3A_60] : memref<24576xf32, #tpu.memory_space<vmem>>[vector<16xi32>], vector<16xf32>,
      %add3A_62 = arith.constant 0 : i32
      %add3A_63 = vector.broadcast %add3A_62 : i32 to vector<16xi32>
      %add3A_64 = arith.addi %mul3A_57, %add3A_63 : vector<16xi32>
      %gather3A_65 = tpu.vector_load_idx %arg12[%add3A_64] : memref<768xf32, #tpu.memory_space<vmem>>[vector<16xi32>], vector<16xf32>,
      %get3A_66 = arith.constant 0 : index
      %get3A_67 = tpu.vector_load %arg14[%get3A_66] {strides = array<i32>} : memref<16xf32, #tpu.memory_space<vmem>>, vector<16xf32>,
      %sub3A_68 = arith.subf %gather3A_61, %gather3A_65 : vector<16xf32>
      %abs3A_69 = math.absf %sub3A_68 : vector<16xf32>
      %add3A_70 = arith.addf %get3A_67, %abs3A_69 : vector<16xf32>
      %swap3A_71 = arith.constant 0 : index
      %swap3A_72 = tpu.vector_load %arg14[%swap3A_71] {strides = array<i32>} : memref<16xf32, #tpu.memory_space<vmem>>, vector<16xf32>,
      tpu.vector_store %arg14[%swap3A_71], %add3A_70 {strides = array<i32>} : memref<16xf32, #tpu.memory_space<vmem>>, vector<16xf32>,
      %add3A_73 = arith.constant 1 : i32
      %add3A_74 = vector.broadcast %add3A_73 : i32 to vector<16xi32>
      %add3A_75 = arith.addi %mul3A_50, %add3A_74 : vector<16xi32>
      %gather3A_76 = tpu.vector_load_idx %arg10[%add3A_75] : memref<24576xf32, #tpu.memory_space<vmem>>[vector<16xi32>], vector<16xf32>,
      %add3A_77 = arith.constant 1 : i32
      %add3A_78 = vector.broadcast %add3A_77 : i32 to vector<16xi32>
      %add3A_79 = arith.addi %mul3A_57, %add3A_78 : vector<16xi32>
      %gather3A_80 = tpu.vector_load_idx %arg12[%add3A_79] : memref<768xf32, #tpu.memory_space<vmem>>[vector<16xi32>], vector<16xf32>,
      %get3A_81 = arith.constant 0 : index
      %get3A_82 = tpu.vector_load %arg14[%get3A_81] {strides = array<i32>} : memref<16xf32, #tpu.memory_space<vmem>>, vector<16xf32>,
      %sub3A_83 = arith.subf %gather3A_76, %gather3A_80 : vector<16xf32>
      %abs3A_84 = math.absf %sub3A_83 : vector<16xf32>
      %add3A_85 = arith.addf %get3A_82, %abs3A_84 : vector<16xf32>
      %swap3A_86 = arith.constant 0 : index
      %swap3A_87 = tpu.vector_load %arg14[%swap3A_86] {strides = array<i32>} : memref<16xf32, #tpu.memory_space<vmem>>, vector<16xf32>,
      tpu.vector_store %arg14[%swap3A_86], %add3A_85 {strides = array<i32>} : memref<16xf32, #tpu.memory_space<vmem>>, vector<16xf32>,
      %add3A_88 = arith.constant 2 : i32
      %add3A_89 = vector.broadcast %add3A_88 : i32 to vector<16xi32>
      %add3A_90 = arith.addi %mul3A_50, %add3A_89 : vector<16xi32>
      %gather3A_91 = tpu.vector_load_idx %arg10[%add3A_90] : memref<24576xf32, #tpu.memory_space<vmem>>[vector<16xi32>], vector<16xf32>,
      %add3A_92 = arith.constant 2 : i32
      %add3A_93 = vector.broadcast %add3A_92 : i32 to vector<16xi32>
      %add3A_94 = arith.addi %mul3A_57, %add3A_93 : vector<16xi32>
      %gather3A_95 = tpu.vector_load_idx %arg12[%add3A_94] : memref<768xf32, #tpu.memory_space<vmem>>[vector<16xi32>], vector<16xf32>,
      %get3A_96 = arith.constant 0 : index
      %get3A_97 = tpu.vector_load %arg14[%get3A_96] {strides = array<i32>} : memref<16xf32, #tpu.memory_space<vmem>>, vector<16xf32>,
      %sub3A_98 = arith.subf %gather3A_91, %gather3A_95 : vector<16xf32>
      %abs3A_99 = math.absf %sub3A_98 : vector<16xf32>
      %add3A_100 = arith.addf %get3A_97, %abs3A_99 : vector<16xf32>
      %swap3A_101 = arith.constant 0 : index
      %swap3A_102 = tpu.vector_load %arg14[%swap3A_101] {strides = array<i32>} : memref<16xf32, #tpu.memory_space<vmem>>, vector<16xf32>,
      tpu.vector_store %arg14[%swap3A_101], %add3A_100 {strides = array<i32>} : memref<16xf32, #tpu.memory_space<vmem>>, vector<16xf32>,
    }
    %scan3A_24 = arith.constant 16 : i32
    %mul3A_25 = arith.constant 2 : i32
    %mul3A_26 = arith.muli %mul3A_25, %add3A : i32
    "tpu.region"() ({
      %run_scoped3A = tpu.sem_alloc : memref<!tpu.dma_semaphore, #tpu.memory_space<semaphore_mem>>
      %dma_start3A_31 = arith.constant 0 : i32
      %dma_start3A_32 = tpu.memref_slice %arg7[%mul3A_26, %dma_start3A_31] : memref<64x16xf32, #tpu.memory_space<hbm>> -> memref<1x16xf32, #tpu.memory_space<hbm>>
      %dma_start3A_33 = tpu.memref_squeeze %dma_start3A_32 : memref<1x16xf32, #tpu.memory_space<hbm>> -> memref<16xf32, #tpu.memory_space<hbm>>
      %dma_start3A_34 = arith.constant 0 : i32
      %dma_start3A_35 = tpu.memref_slice %arg7[%mul3A_26, %dma_start3A_34] : memref<64x16xf32, #tpu.memory_space<hbm>> -> memref<1x16xf32, #tpu.memory_space<hbm>>
      %dma_start3A_36 = tpu.memref_squeeze %dma_start3A_35 : memref<1x16xf32, #tpu.memory_space<hbm>> -> memref<16xf32, #tpu.memory_space<hbm>>
      tpu.enqueue_dma source(%arg13 : memref<16xf32, #tpu.memory_space<vmem>>) target(%dma_start3A_36 : memref<16xf32, #tpu.memory_space<hbm>>) target_semaphore(%run_scoped3A : memref<!tpu.dma_semaphore, #tpu.memory_space<semaphore_mem>>)
      %dma_wait3A_37 = arith.constant 0 : i32
      %dma_wait3A_38 = tpu.memref_slice %arg7[%mul3A_26, %dma_wait3A_37] : memref<64x16xf32, #tpu.memory_space<hbm>> -> memref<1x16xf32, #tpu.memory_space<hbm>>
      %dma_wait3A_39 = tpu.memref_squeeze %dma_wait3A_38 : memref<1x16xf32, #tpu.memory_space<hbm>> -> memref<16xf32, #tpu.memory_space<hbm>>
      %dma_wait3A_40 = arith.constant 0 : i32
      %dma_wait3A_41 = tpu.memref_slice %arg7[%mul3A_26, %dma_wait3A_40] : memref<64x16xf32, #tpu.memory_space<hbm>> -> memref<1x16xf32, #tpu.memory_space<hbm>>
      %dma_wait3A_42 = tpu.memref_squeeze %dma_wait3A_41 : memref<1x16xf32, #tpu.memory_space<hbm>> -> memref<16xf32, #tpu.memory_space<hbm>>
      tpu.wait_dma2 semaphore(%run_scoped3A : memref<!tpu.dma_semaphore, #tpu.memory_space<semaphore_mem>>) src(%arg13 : memref<16xf32, #tpu.memory_space<vmem>>) dst(%dma_wait3A_42 : memref<16xf32, #tpu.memory_space<hbm>>)
      tpu.yield
    }) : () -> ()
    %mul3A_27 = arith.constant 2 : i32
    %mul3A_28 = arith.muli %mul3A_27, %add3A : i32
    %add3A_29 = arith.constant 1 : i32
    %add3A_30 = arith.addi %mul3A_28, %add3A_29 : i32
    "tpu.region"() ({
      %run_scoped3A = tpu.sem_alloc : memref<!tpu.dma_semaphore, #tpu.memory_space<semaphore_mem>>
      %dma_start3A_31 = arith.constant 0 : i32
      %dma_start3A_32 = tpu.memref_slice %arg7[%add3A_30, %dma_start3A_31] : memref<64x16xf32, #tpu.memory_space<hbm>> -> memref<1x16xf32, #tpu.memory_space<hbm>>
      %dma_start3A_33 = tpu.memref_squeeze %dma_start3A_32 : memref<1x16xf32, #tpu.memory_space<hbm>> -> memref<16xf32, #tpu.memory_space<hbm>>
      %dma_start3A_34 = arith.constant 0 : i32
      %dma_start3A_35 = tpu.memref_slice %arg7[%add3A_30, %dma_start3A_34] : memref<64x16xf32, #tpu.memory_space<hbm>> -> memref<1x16xf32, #tpu.memory_space<hbm>>
      %dma_start3A_36 = tpu.memref_squeeze %dma_start3A_35 : memref<1x16xf32, #tpu.memory_space<hbm>> -> memref<16xf32, #tpu.memory_space<hbm>>
      tpu.enqueue_dma source(%arg14 : memref<16xf32, #tpu.memory_space<vmem>>) target(%dma_start3A_36 : memref<16xf32, #tpu.memory_space<hbm>>) target_semaphore(%run_scoped3A : memref<!tpu.dma_semaphore, #tpu.memory_space<semaphore_mem>>)
      %dma_wait3A_37 = arith.constant 0 : i32
      %dma_wait3A_38 = tpu.memref_slice %arg7[%add3A_30, %dma_wait3A_37] : memref<64x16xf32, #tpu.memory_space<hbm>> -> memref<1x16xf32, #tpu.memory_space<hbm>>
      %dma_wait3A_39 = tpu.memref_squeeze %dma_wait3A_38 : memref<1x16xf32, #tpu.memory_space<hbm>> -> memref<16xf32, #tpu.memory_space<hbm>>
      %dma_wait3A_40 = arith.constant 0 : i32
      %dma_wait3A_41 = tpu.memref_slice %arg7[%add3A_30, %dma_wait3A_40] : memref<64x16xf32, #tpu.memory_space<hbm>> -> memref<1x16xf32, #tpu.memory_space<hbm>>
      %dma_wait3A_42 = tpu.memref_squeeze %dma_wait3A_41 : memref<1x16xf32, #tpu.memory_space<hbm>> -> memref<16xf32, #tpu.memory_space<hbm>>
      tpu.wait_dma2 semaphore(%run_scoped3A : memref<!tpu.dma_semaphore, #tpu.memory_space<semaphore_mem>>) src(%arg14 : memref<16xf32, #tpu.memory_space<vmem>>) dst(%dma_wait3A_42 : memref<16xf32, #tpu.memory_space<hbm>>)
      tpu.yield
    }) : () -> ()
    return
  }
}

module attributes {stable_mosaic.version = 14 : i64} {
  func.func @_dist_kernel(%arg0: i32, %arg1: memref<1x2048x3xf32, #tpu.memory_space<vmem>>, %arg2: memref<1x3x2048xf32, #tpu.memory_space<vmem>>, %arg3: memref<1x1x1xf32, #tpu.memory_space<vmem>>, %arg4: memref<1x1x1xf32, #tpu.memory_space<vmem>>, %arg5: memref<1x1x2048xi32, #tpu.memory_space<vmem>>) attributes {dimension_semantics = [#tpu.dimension_semantics<parallel>], iteration_bounds = array<i64: 4>, scalar_prefetch = 0 : i64, scratch_operands = 0 : i64, tpu.core_type = #tpu.core_type<tc>, window_params = [{transform_indices = @transform_0, window_bounds = array<i64: 1, 2048, 3>}, {transform_indices = @transform_1, window_bounds = array<i64: 1, 3, 2048>}, {transform_indices = @transform_2, window_bounds = array<i64: 1, 1, 1>}, {transform_indices = @transform_3, window_bounds = array<i64: 1, 1, 1>}, {transform_indices = @transform_4, window_bounds = array<i64: 1, 1, 2048>}]} {
    %get3A = arith.constant 0 : index
    %get3A_0 = arith.constant 0 : index
    %get3A_1 = arith.constant 0 : index
    %get3A_2 = vector.load %arg1[%get3A, %get3A_0, %get3A_1] : memref<1x2048x3xf32, #tpu.memory_space<vmem>>, vector<1x2048x3xf32>
    %get3A_3 = vector.shape_cast %get3A_2 : vector<1x2048x3xf32> to vector<2048x3xf32>
    %get3A_4 = arith.constant 0 : index
    %get3A_5 = arith.constant 0 : index
    %get3A_6 = arith.constant 0 : index
    %get3A_7 = vector.load %arg2[%get3A_4, %get3A_5, %get3A_6] : memref<1x3x2048xf32, #tpu.memory_space<vmem>>, vector<1x3x2048xf32>
    %get3A_8 = vector.shape_cast %get3A_7 : vector<1x3x2048xf32> to vector<3x2048xf32>
    %add3A = arith.addf %get3A_3, %get3A_3 : vector<2048x3xf32>
    %convert_element_type3A = arith.truncf %add3A : vector<2048x3xf32> to vector<2048x3xbf16>
    %convert_element_type3A_9 = arith.truncf %get3A_8 : vector<3x2048xf32> to vector<3x2048xbf16>
    %dot_general3A = arith.constant dense<0.000000e+00> : vector<2048x2048xf32>
    %dot_general3A_10 = tpu.matmul %convert_element_type3A, %convert_element_type3A_9, %dot_general3A {dimension_numbers = #tpu.dot_dimension_numbers<[1], [0], [0], [1], [0, 0, 1, 1], [], []>, transpose_lhs_hint = false} : vector<2048x3xbf16>, vector<3x2048xbf16>, vector<2048x2048xf32> -> vector<2048x2048xf32>
    %slice3A = vector.extract_strided_slice %get3A_3 {offsets = [0, 0], sizes = [2048, 1], strides = [1, 1]} : vector<2048x3xf32> to vector<2048x1xf32>
    %integer_pow3A = arith.mulf %slice3A, %slice3A : vector<2048x1xf32>
    %slice3A_11 = vector.extract_strided_slice %get3A_3 {offsets = [0, 1], sizes = [2048, 1], strides = [1, 1]} : vector<2048x3xf32> to vector<2048x1xf32>
    %integer_pow3A_12 = arith.mulf %slice3A_11, %slice3A_11 : vector<2048x1xf32>
    %add3A_13 = arith.addf %integer_pow3A, %integer_pow3A_12 : vector<2048x1xf32>
    %slice3A_14 = vector.extract_strided_slice %get3A_3 {offsets = [0, 2], sizes = [2048, 1], strides = [1, 1]} : vector<2048x3xf32> to vector<2048x1xf32>
    %integer_pow3A_15 = arith.mulf %slice3A_14, %slice3A_14 : vector<2048x1xf32>
    %add3A_16 = arith.addf %add3A_13, %integer_pow3A_15 : vector<2048x1xf32>
    %slice3A_17 = vector.extract_strided_slice %get3A_8 {offsets = [0, 0], sizes = [1, 2048], strides = [1, 1]} : vector<3x2048xf32> to vector<1x2048xf32>
    %integer_pow3A_18 = arith.mulf %slice3A_17, %slice3A_17 : vector<1x2048xf32>
    %slice3A_19 = vector.extract_strided_slice %get3A_8 {offsets = [1, 0], sizes = [1, 2048], strides = [1, 1]} : vector<3x2048xf32> to vector<1x2048xf32>
    %integer_pow3A_20 = arith.mulf %slice3A_19, %slice3A_19 : vector<1x2048xf32>
    %add3A_21 = arith.addf %integer_pow3A_18, %integer_pow3A_20 : vector<1x2048xf32>
    %slice3A_22 = vector.extract_strided_slice %get3A_8 {offsets = [2, 0], sizes = [1, 2048], strides = [1, 1]} : vector<3x2048xf32> to vector<1x2048xf32>
    %integer_pow3A_23 = arith.mulf %slice3A_22, %slice3A_22 : vector<1x2048xf32>
    %add3A_24 = arith.addf %add3A_21, %integer_pow3A_23 : vector<1x2048xf32>
    %add3A_25 = vector.broadcast %add3A_16 : vector<2048x1xf32> to vector<2048x2048xf32>
    %add3A_26 = vector.broadcast %add3A_24 : vector<1x2048xf32> to vector<2048x2048xf32>
    %add3A_27 = arith.addf %add3A_25, %add3A_26 : vector<2048x2048xf32>
    %sub3A = arith.subf %add3A_27, %dot_general3A_10 : vector<2048x2048xf32>
    %reduce_min3A = arith.constant dense<0x7F800000> : vector<2048xf32>
    %reduce_min3A_28 = vector.multi_reduction <minimumf>, %sub3A, %reduce_min3A [1] : vector<2048x2048xf32> to vector<2048xf32>
    %max3A = arith.constant 0.000000e+00 : f32
    %max3A_29 = vector.broadcast %max3A : f32 to vector<2048xf32>
    %max3A_30 = arith.maximumf %reduce_min3A_28, %max3A_29 : vector<2048xf32>
    %reduce_sum3A = vector.shape_cast %max3A_30 : vector<2048xf32> to vector<1x2048xf32>
    %reduce_sum3A_31 = arith.constant dense<0.000000e+00> : vector<1xf32>
    %reduce_sum3A_32 = vector.multi_reduction <add>, %reduce_sum3A, %reduce_sum3A_31 [1] : vector<1x2048xf32> to vector<1xf32>
    %reduce_sum3A_33 = vector.shape_cast %reduce_sum3A_32 : vector<1xf32> to vector<1x1xf32>
    %reduce_sum3A_34 = vector.extract %reduce_sum3A_33[0, 0] : f32 from vector<1x1xf32>
    %reduce_min3A_35 = arith.constant dense<0x7F800000> : vector<2048xf32>
    %reduce_min3A_36 = vector.multi_reduction <minimumf>, %sub3A, %reduce_min3A_35 [0] : vector<2048x2048xf32> to vector<2048xf32>
    %broadcast_in_dim3A = vector.shape_cast %reduce_min3A_36 : vector<2048xf32> to vector<1x2048xf32>
    %eq3A = vector.broadcast %broadcast_in_dim3A : vector<1x2048xf32> to vector<2048x2048xf32>
    %eq3A_37 = arith.cmpf oeq, %sub3A, %eq3A : vector<2048x2048xf32>
    %convert_element_type3A_38 = arith.extui %eq3A_37 : vector<2048x2048xi1> to vector<2048x2048xi32>
    %convert_element_type3A_39 = arith.sitofp %convert_element_type3A_38 : vector<2048x2048xi32> to vector<2048x2048xf32>
    %convert_element_type3A_40 = arith.truncf %convert_element_type3A_39 : vector<2048x2048xf32> to vector<2048x2048xbf16>
    %iota3A = tpu.iota {dimensions = array<i32: 1>} : vector<1x2048xi32>
    %shift_right_arithmetic3A = arith.constant 8 : i32
    %shift_right_arithmetic3A_41 = vector.broadcast %shift_right_arithmetic3A : i32 to vector<1x2048xi32>
    %shift_right_arithmetic3A_42 = arith.shrsi %iota3A, %shift_right_arithmetic3A_41 : vector<1x2048xi32>
    %shift_left3A = arith.constant 8 : i32
    %shift_left3A_43 = vector.broadcast %shift_left3A : i32 to vector<1x2048xi32>
    %shift_left3A_44 = arith.shli %shift_right_arithmetic3A_42, %shift_left3A_43 : vector<1x2048xi32>
    %convert_element_type3A_45 = arith.sitofp %shift_left3A_44 : vector<1x2048xi32> to vector<1x2048xf32>
    %sub3A_46 = arith.subi %iota3A, %shift_left3A_44 : vector<1x2048xi32>
    %convert_element_type3A_47 = arith.sitofp %sub3A_46 : vector<1x2048xi32> to vector<1x2048xf32>
    %concatenate3A = tpu.concatenate %convert_element_type3A_45, %convert_element_type3A_47 in 0 : vector<1x2048xf32>, vector<1x2048xf32> -> vector<2x2048xf32>
    %convert_element_type3A_48 = arith.truncf %concatenate3A : vector<2x2048xf32> to vector<2x2048xbf16>
    %dot_general3A_49 = arith.constant dense<0.000000e+00> : vector<2x2048xf32>
    %dot_general3A_50 = tpu.matmul %convert_element_type3A_48, %convert_element_type3A_40, %dot_general3A_49 {dimension_numbers = #tpu.dot_dimension_numbers<[1], [0], [0], [1], [0, 0, 1, 1], [], []>, transpose_lhs_hint = false} : vector<2x2048xbf16>, vector<2048x2048xbf16>, vector<2x2048xf32> -> vector<2x2048xf32>
    %slice3A_51 = vector.extract_strided_slice %dot_general3A_50 {offsets = [0, 0], sizes = [1, 2048], strides = [1, 1]} : vector<2x2048xf32> to vector<1x2048xf32>
    %squeeze3A = vector.shape_cast %slice3A_51 : vector<1x2048xf32> to vector<2048xf32>
    %slice3A_52 = vector.extract_strided_slice %dot_general3A_50 {offsets = [1, 0], sizes = [1, 2048], strides = [1, 1]} : vector<2x2048xf32> to vector<1x2048xf32>
    %squeeze3A_53 = vector.shape_cast %slice3A_52 : vector<1x2048xf32> to vector<2048xf32>
    %add3A_54 = arith.addf %squeeze3A, %squeeze3A_53 : vector<2048xf32>
    %broadcast_in_dim3A_55 = vector.broadcast %reduce_sum3A_34 : f32 to vector<1x1x1xf32>
    %swap3A = arith.constant 0 : index
    %swap3A_56 = arith.constant 0 : index
    %swap3A_57 = arith.constant 0 : index
    %swap3A_58 = vector.load %arg3[%swap3A, %swap3A_56, %swap3A_57] : memref<1x1x1xf32, #tpu.memory_space<vmem>>, vector<1x1x1xf32>
    tpu.vector_store %arg3[%swap3A, %swap3A_56, %swap3A_57], %broadcast_in_dim3A_55 {strides = array<i32>} : memref<1x1x1xf32, #tpu.memory_space<vmem>>, vector<1x1x1xf32>,
    %max3A_59 = arith.constant 0.000000e+00 : f32
    %max3A_60 = vector.broadcast %max3A_59 : f32 to vector<2048xf32>
    %max3A_61 = arith.maximumf %reduce_min3A_36, %max3A_60 : vector<2048xf32>
    %reduce_sum3A_62 = vector.shape_cast %max3A_61 : vector<2048xf32> to vector<1x2048xf32>
    %reduce_sum3A_63 = arith.constant dense<0.000000e+00> : vector<1xf32>
    %reduce_sum3A_64 = vector.multi_reduction <add>, %reduce_sum3A_62, %reduce_sum3A_63 [1] : vector<1x2048xf32> to vector<1xf32>
    %reduce_sum3A_65 = vector.shape_cast %reduce_sum3A_64 : vector<1xf32> to vector<1x1xf32>
    %reduce_sum3A_66 = vector.extract %reduce_sum3A_65[0, 0] : f32 from vector<1x1xf32>
    %broadcast_in_dim3A_67 = vector.broadcast %reduce_sum3A_66 : f32 to vector<1x1x1xf32>
    %swap3A_68 = arith.constant 0 : index
    %swap3A_69 = arith.constant 0 : index
    %swap3A_70 = arith.constant 0 : index
    %swap3A_71 = vector.load %arg4[%swap3A_68, %swap3A_69, %swap3A_70] : memref<1x1x1xf32, #tpu.memory_space<vmem>>, vector<1x1x1xf32>
    tpu.vector_store %arg4[%swap3A_68, %swap3A_69, %swap3A_70], %broadcast_in_dim3A_67 {strides = array<i32>} : memref<1x1x1xf32, #tpu.memory_space<vmem>>, vector<1x1x1xf32>,
    %jit3A = arith.constant 0.000000e+00 : f32
    %jit3A_72 = arith.constant 2.047000e+03 : f32
    %max3A_73 = vector.broadcast %jit3A : f32 to vector<2048xf32>
    %max3A_74 = arith.maximumf %max3A_73, %add3A_54 : vector<2048xf32>
    %min3A = vector.broadcast %jit3A_72 : f32 to vector<2048xf32>
    %min3A_75 = arith.minimumf %min3A, %max3A_74 : vector<2048xf32>
    %convert_element_type3A_76 = arith.fptosi %min3A_75 : vector<2048xf32> to vector<2048xi32>
    %mul3A = arith.constant 2048 : i32
    %mul3A_77 = arith.muli %arg0, %mul3A : i32
    %add3A_78 = vector.broadcast %mul3A_77 : i32 to vector<2048xi32>
    %add3A_79 = arith.addi %convert_element_type3A_76, %add3A_78 : vector<2048xi32>
    %swap3A_80 = arith.constant 0 : index
    %swap3A_81 = arith.constant 0 : index
    %swap3A_82 = arith.constant 0 : index
    %swap3A_83 = vector.load %arg5[%swap3A_80, %swap3A_81, %swap3A_82] : memref<1x1x2048xi32, #tpu.memory_space<vmem>>, vector<1x1x2048xi32>
    %swap3A_84 = vector.shape_cast %swap3A_83 : vector<1x1x2048xi32> to vector<2048xi32>
    %swap3A_85 = vector.shape_cast %add3A_79 : vector<2048xi32> to vector<1x1x2048xi32>
    tpu.vector_store %arg5[%swap3A_80, %swap3A_81, %swap3A_82], %swap3A_85 {strides = array<i32>} : memref<1x1x2048xi32, #tpu.memory_space<vmem>>, vector<1x1x2048xi32>,
    return
  }
  func.func @transform_0(%arg0: i32) -> (i32, i32, i32) {
    %c0_i32 = arith.constant 0 : i32
    %c0_i32_0 = arith.constant 0 : i32
    %c0_i32_1 = arith.constant 0 : i32
    return %arg0, %c0_i32, %c0_i32_0 : i32, i32, i32
  }
  func.func @transform_1(%arg0: i32) -> (i32, i32, i32) {
    %c0_i32 = arith.constant 0 : i32
    %c0_i32_0 = arith.constant 0 : i32
    %c0_i32_1 = arith.constant 0 : i32
    return %arg0, %c0_i32, %c0_i32_0 : i32, i32, i32
  }
  func.func @transform_2(%arg0: i32) -> (i32, i32, i32) {
    %c0_i32 = arith.constant 0 : i32
    %c0_i32_0 = arith.constant 0 : i32
    %c0_i32_1 = arith.constant 0 : i32
    return %arg0, %c0_i32, %c0_i32_0 : i32, i32, i32
  }
  func.func @transform_3(%arg0: i32) -> (i32, i32, i32) {
    %c0_i32 = arith.constant 0 : i32
    %c0_i32_0 = arith.constant 0 : i32
    %c0_i32_1 = arith.constant 0 : i32
    return %arg0, %c0_i32, %c0_i32_0 : i32, i32, i32
  }
  func.func @transform_4(%arg0: i32) -> (i32, i32, i32) {
    %c0_i32 = arith.constant 0 : i32
    %c0_i32_0 = arith.constant 0 : i32
    %c0_i32_1 = arith.constant 0 : i32
    return %arg0, %c0_i32, %c0_i32_0 : i32, i32, i32
  }
}

</mosaic_0001>

<sc_bundles>
// kernel: kernel.4.cloned.1.call-start
scs
__scs_entry_jumppad:
0x0: {  	(pc) =	sbr.rel $0x88, $3  }
0x1: {  	(tag) =	ssettag $0x0;
	lr =	simm.s32 $0x1  }
0x2: {  	[smem:$0x3F9B] =	sst lr;
	_ =	strace $0xD0000000  }
0x3: {  	_ = 	snop  }
0x4: {  	_ = 	snop  }
0x5: {  	_ = 	snop  }
0x6: {  	_ = 	snop  }
0x7: {  	_ = 	snop  }
__scs_overlays_trampoline_lowered:
0x8: {  	[smem:$0x3FAA] =	sst s0  }
0x9: {  	[smem:$0x3FAB] =	sst s1  }
0xa: {  	[smem:$0x3FAC] =	sst s2  }
0xb: {  	[smem:$0x3FAD] =	sst s3  }
0xc: {  	[smem:$0x3FAE] =	sst s4  }
0xd: {  	[smem:$0x3FAF] =	sst s5  }
0xe: {  	[smem:$0x3FB0] =	sst s6  }
0xf: {  	[smem:$0x3FB1] =	sst s7  }
0x10: {  	[smem:$0x3FB2] =	sst s8  }
0x11: {  	[smem:$0x3FB3] =	sst s9;
	s0 =	simm.s32 @!p0 $0x0  }
0x12: {  	s1 =	sld [smem:$0x3F99];
	s0 =	simm.s32 @p0 $0x1  }
0x13: {  	[smem:$0x3FB4] =	sst s0;
	s0 =	simm.s32 @!p1 $0x0  }
0x14: {  	s2 =	sld [smem:$0x3F98];
	s0 =	simm.s32 @p1 $0x1  }
0x15: {  	[smem:$0x3FB5] =	sst s0;
	s0 =	simm.s32 @!p2 $0x0  }
0x16: {  	s3 =	sld [smem:$0x3FDB];
	s0 =	simm.s32 @p2 $0x1  }
0x17: {  	s4 =	simm.s32 $0x1BF5;
	[smem:$0x3FB7] =	sst s0  }
0x18: {  	s0 =	sld [smem:$0x3F9A];
	_ =	swait.ge [sflag:s4], $0x0  }
0x19: {  	s7 =	sld [smem:$0x3F9B]  }
0x1a: {  	s8 =	sadd.s32 $0xFFFFE003, lr  }
0x1b: {  	s9 =	sadd.s32 $0xFFFFFEF7, lr;
	s5 =	simm.s32 $0xFFFFFFFF;
	p2 =	slt.u32 s8, $0xFFFFF086  }
0x1c: {  	p1 =	slt.u32 s9, $0xF7A;
	s5 =	simm.s32 @!p2 $0x0  }
0x1d: {  	s5 =	simm.s32 @p1 $0x1;
	p0 =	seq.s32 s7, s2  }
0x1e: {  	s7 =	smul.u32 @!p0 $0xF7A, s2;
	p2 =	seq.s32 @!p0 s5, $0x0  }
0x1f: {  	s9 =	smul.u32 $0xF7A, s1;
	s8 =	simm.s32 @!p0 $0x1BF5;
	p2 =	por !p2, p0  }
0x20: {  	[sflag:s8] =	ssyncset.s32 @!p0 $0xFFFFF086;
	s6 =	sadd.s32 @!p0 s3, s7;
	s7 =	simm.s32 @!p0 $0x108  }
0x21: {  	s3 =	sadd.s32 s3, s9;
	s6 =	sadd.s32 @!p0 $0x88, s6;
	s7 =	simm.s32 @p2 $0x1082  }
0x22: {  	[simem:s7], [sflag:s8] =	dma.local @!p0 [hbm:s6], $0xF7A  }
0x23: {  	s9 =	sor.u32 $0xD0000000, s2;
	s6 =	simm.s32 $0x108;
	_ =	swait.ge @!p0 [sflag:s8], $0x0  }
0x24: {  	s3 =	sadd.s32 $0x88, s3;
	s6 =	simm.s32 @!p1 $0x1082;
	[sflag:s4] =	ssyncset.s32 $0xFFFFF086  }
0x25: {  	[simem:s6], [sflag:s4] =	dma.local [hbm:s3], $0xF7A  }
0x26: {  	[smem:$0x3F9B] =	sst s1;
	(tag) =	ssettag s2;
	_ =	strace s9  }
0x27: {  	s1 =	sld [smem:$0x3FAB]  }
0x28: {  	s2 =	sld [smem:$0x3FAC]  }
0x29: {  	s4 =	sld [smem:$0x3FAE]  }
0x2a: {  	p0 =	seq.s32 s5, $0x0;
	s5 =	sld [smem:$0x3FAF]  }
0x2b: {  	s6 =	sld [smem:$0x3FB0]  }
0x2c: {  	s7 =	sld [smem:$0x3FB1]  }
0x2d: {  	s3 =	simm.s32 $0x108;
	s8 =	sld [smem:$0x3FB2]  }
0x2e: {  	s3 =	simm.s32 @!p0 $0x1082;
	s9 =	sld [smem:$0x3FB3]  }
0x2f: {  	lr =	sadd.s32 s0, s3;
	s0 =	sld [smem:$0x3FAA]  }
0x30: {  	s3 =	sld [smem:$0x3FAD]  }
0x31: {  	[smem:$0x3FB6] =	sst s10  }
0x32: {  	s10 =	sld [smem:$0x3FB4];
	_ =	sdelay $0x3  }
0x33: {  	p0 =	seq.s32 s10, $0x1;
	s10 =	sld [smem:$0x3FB6];
	_ =	sdelay $0x3  }
0x34: {  	[smem:$0x3FB6] =	sst s10  }
0x35: {  	s10 =	sld [smem:$0x3FB5];
	_ =	sdelay $0x3  }
0x36: {  	p1 =	seq.s32 s10, $0x1;
	s10 =	sld [smem:$0x3FB6];
	_ =	sdelay $0x3  }
0x37: {  	[smem:$0x3FB6] =	sst s10  }
0x38: {  	s10 =	sld [smem:$0x3FB7]  }
0x39: {  	_ = 	snop;
	(pc) =	sbr.ind lr, $3  }
0x3a: {  	_ = 	snop  }
0x3b: {  	_ = 	snop  }
0x3c: {  	p2 =	seq.s32 s10, $0x1;
	s10 =	sld [smem:$0x3FB6]  }
0x3d: {  	_ =	shalt  }
0x3e: {  	_ =	shalt  }
0x3f: {  	_ =	shalt  }
0x40: {  	_ =	shalt  }
0x41: {  	_ =	shalt  }
0x42: {  	_ =	shalt  }
0x43: {  	_ =	shalt  }
0x44: {  	_ =	shalt  }
0x45: {  	_ =	shalt  }
0x46: {  	_ =	shalt  }
0x47: {  	_ =	shalt  }
0x48: {  	_ =	shalt  }
0x49: {  	_ =	shalt  }
0x4a: {  	_ =	shalt  }
0x4b: {  	_ =	shalt  }
0x4c: {  	_ =	shalt  }
0x4d: {  	_ =	shalt  }
0x4e: {  	_ =	shalt  }
0x4f: {  	_ =	shalt  }
0x50: {  	_ =	shalt  }
0x51: {  	_ =	shalt  }
0x52: {  	_ =	shalt  }
0x53: {  	_ =	shalt  }
0x54: {  	_ =	shalt  }
0x55: {  	_ =	shalt  }
0x56: {  	_ =	shalt  }
0x57: {  	_ =	shalt  }
0x58: {  	_ =	shalt  }
0x59: {  	_ =	shalt  }
0x5a: {  	_ =	shalt  }
0x5b: {  	_ =	shalt  }
0x5c: {  	_ =	shalt  }
0x5d: {  	_ =	shalt  }
0x5e: {  	_ =	shalt  }
0x5f: {  	_ =	shalt  }
0x60: {  	_ =	shalt  }
0x61: {  	_ =	shalt  }
0x62: {  	_ =	shalt  }
0x63: {  	_ =	shalt  }
0x64: {  	_ =	shalt  }
0x65: {  	_ =	shalt  }
0x66: {  	_ =	shalt  }
0x67: {  	_ =	shalt  }
0x68: {  	_ =	shalt  }
0x69: {  	_ =	shalt  }
0x6a: {  	_ =	shalt  }
0x6b: {  	_ =	shalt  }
0x6c: {  	_ =	shalt  }
0x6d: {  	_ =	shalt  }
0x6e: {  	_ =	shalt  }
0x6f: {  	_ =	shalt  }
0x70: {  	_ =	shalt  }
0x71: {  	_ =	shalt  }
0x72: {  	_ =	shalt  }
0x73: {  	_ =	shalt  }
0x74: {  	_ =	shalt  }
0x75: {  	_ =	shalt  }
0x76: {  	_ =	shalt  }
0x77: {  	_ =	shalt  }
0x78: {  	_ =	shalt  }
0x79: {  	_ =	shalt  }
0x7a: {  	_ =	shalt  }
0x7b: {  	_ =	shalt  }
0x7c: {  	_ =	shalt  }
0x7d: {  	_ =	shalt  }
0x7e: {  	_ =	shalt  }
0x7f: {  	_ =	shalt  }
0x80: {  	_ =	shalt  }
0x81: {  	_ =	shalt  }
0x82: {  	_ =	shalt  }
0x83: {  	_ =	shalt  }
0x84: {  	_ =	shalt  }
0x85: {  	_ =	shalt  }
0x86: {  	_ =	shalt  }
0x87: {  	_ =	shalt  }
.Lfunc_end0:
.L_simem_size_0:
called_computation_lowered:
.L_overlay_start_0:
0x88: {  	s2 =	sld [smem:$0x3FD9]  }
0x89: {  	s3 =	sld [smem:$0x3FFE];
	_ =	sdelay $0x1  }
0x8a: {  	s1 =	srdreg.scid  }
0x8b: {  	s0 =	sand.u32 $0x1, s1  }
0x8c: {  	s17 =	sshll.u32 s0, $0xA;
	s2 =	sadd.s32 s3, s2  }
0x8d: {  	s2 =	sadd.s32 s2, s17  }
0x8e: {  	[smem:$0x3FC2] =	sst s2  }
0x8f: {  	_ = 	snop  }
0x90: {  	s2 =	sld [smem:$0x3FC5];
	(tm) =	ssettm $0x1  }
0x91: {  	s18 =	sld [smem:$0x3FFB];
	_ =	sdelay $0x3  }
0x92: {  	_ =	strace s18  }
0x93: {  	s3 =	sld [smem:$0x3FFC];
	_ =	sdelay $0x3  }
0x94: {  	_ =	strace s3  }
0x95: {  	s3 =	sld [smem:$0x3FFD];
	_ =	sdelay $0x3  }
0x96: {  	_ =	strace s3  }
0x97: {  	_ =	strace $0x8FFFFFFF  }
0x98: {  	s19 =	sld [smem:$0x3FDB];
	_ =	sdelay $0x1  }
0x99: {  	s4 =	simm.s32 $_scs_section_size  }
0x9a: {  	s5 =	simm.s32 $_size__tile_overlayer_lowered;
	s6 =	simm.s32 $_tile_overlayer_lowered  }
0x9b: {  	s22 =	simm.s32 $0x1BFF;
	s21 =	sshll.u32 s6, $0x1;
	s3 =	sadd.s32 s4, s19  }
0x9c: {  	s7 =	simm.s32 $0x0;
	s20 =	sshll.u32 s5, $0x1;
	s5 =	sadd.s32 s21, s3  }
0x9d: {  	[timem:s7], [sflag:s22] =	dma.local [hbm:s5], s20  }
0x9e: {  	_ =	swait.ge [sflag:s22], s20  }
0x9f: {  	s4 =	ssub.s32 $0x0, s20;
	[sflag:s22] =	ssyncset.done $0x0  }
0xa0: {  	[sflag:s22] =	ssyncadd.s32 s4;
	_ =	sdelay $0x1  }
0xa1: {  	s23 =	simm.s32 $0x1B8B  }
0xa2: {  	_ =	swait.ge [sflag:s23], $0x1  }
0xa3: {  	[sflag:s23] =	ssyncset.done $0x0  }
0xa4: {  	s25 =	simm.s32 $0x1B8E;
	s24 =	sld [smem:$0x3FFE];
	[sflag:s23] =	ssyncadd.s32 $0xFFFFFFFF  }
0xa5: {  	s26 =	simm.s32 $execute0_lowered;
	[smem:$0x3FD2] =	sst s25  }
0xa6: {  	s5 =	sshll.u32 s26, $0x1;
	_ =	strace $0x80000046;
	[dreg:$0x1] =	wrdreg $0xFFFFFFFF  }
0xa7: {  	s28 =	simm.s32 $_size_execute0_lowered;
	s3 =	sadd.s32 s3, s5;
	[dreg:$0x0] =	wrdreg $0x0  }
0xa8: {  	s5 =	sshll.u32 s28, $0x1;
	[dreg:$0x2] =	wrdreg s3  }
0xa9: {  	[dreg:$0x3] =	wrdreg s5  }
0xaa: {  	[dreg:$0x4] =	wrdreg $0xC0  }
0xab: {  	_ =	task [dreg:s7], $0x5FFFF  }
0xac: {  	[dreg:$0x1] =	wrdreg $0xFFFFFFFF  }
0xad: {  	[dreg:$0x0] =	wrdreg $0x60  }
0xae: {  	[dreg:$0x2] =	wrdreg s2  }
0xaf: {  	[dreg:$0x3] =	wrdreg s24  }
0xb0: {  	[dreg:$0x4] =	wrdreg $0x9  }
0xb1: {  	_ =	task.clear_ibuf [dreg:s7], $0x5FFFF;
	_ =	strace $0x90000046  }
0xb2: {  	s29 =	simm.s32 $0x9;
	_ =	strace $0x80000048  }
0xb3: {  	_ =	swait.ge [sflag:s29], $0x1  }
0xb4: {  	[sflag:s29] =	ssyncadd.s32 $0xFFFFFFFF  }
0xb5: {  	_ =	strace $0x90000048  }
0xb6: {  	_ =	sfence  }
0xb7: {  	s30 =	sld [smem:$0x0];
	_ =	sdelay $0x2  }
0xb8: {  	s31 =	sshll.u32 s1, $0xD;
	s1 =	sshrl.u32 s1, $0x2  }
0xb9: {  	s3 =	sand.u32 $0x4000, s31;
	s1 =	sadd.s32 s1, s30  }
0xba: {  	s0 =	sor.u32 s3, s0;
	s1 =	sshll.u32 s1, $0x11  }
0xbb: {  	s0 =	sor.u32 s1, s0  }
0xbc: {  	s0 =	sadd.s32 $0x8F2B, s0  }
0xbd: {  	[sflag:s0] =	ssyncadd.remote.s32 $0x1  }
0xbe: {  	_ =	sfence.sel $0xFFFF  }
0xbf: {  	[dreg:$0x0] =	wrdreg $0xFFFFFFFF;
	(pc) =	sbr.abs _section_cstart, $3  }
0xc0: {  	[dreg:$0x1] =	wrdreg $0xFFFFFFFF  }
0xc1: {  	_ =	task.clear_ibuf [dreg:s7], $0x2FFFF;
	_ =	strace $0x9FFFFFFF  }
0xc2: {  	(tm) =	ssettm $0x7FFFFFFF  }
0xc3: {  	_ =	shalt  }
tec
execute0_lowered:
.L_overlay_start_1:
0x0: {  	(tag) =	ssettag $0x1  }
0x1: {  	s2 =	rddreg [dreg:$0x0]  }
0x2: {  	s7 =	rddreg [dreg:$0x1]  }
0x3: {  	s0 =	rddreg [dreg:$0x2];
	s4 =	srdreg.scid  }
0x4: {  	s1 =	stileid.u32;
	s3 =	simm.s32 $0x0;
	s12 =	simm.s32 $0x2100  }
0x5: {  	s13 =	simm.s32 $0x8200;
	s14 =	simm.s32 $0x1;
	s15 =	simm.s32 $0x8500  }
0x6: {  	s16 =	simm.s32 $0x2;
	s17 =	simm.s32 $0x8510;
	s18 =	simm.s32 $0x0  }
0x7: {  	s5 =	sand.u32 $0x1, s4;
	s31 =	sshll.u32 s1, $0x1;
	[smem:$0x7FF] =	sst s3  }
0x8: {  	s4 =	sadd.s32 $0xC00, s7;
	s6 =	sor.u32 s5, s31;
	_ =	strace $0x80000047  }
0x9: {  	v0 =	vlaneseq.u32;
	v1 =	vimm.s32 $0x52741630;
	v3 =	vimm.s32 $0x74163052;
	s5 =	ssub.s32 $0x2, s5;
	s8 =	sshll.u32 s6, $0x5;
	s9 =	sshll.u32 s6, $0x2  }
0xa: {  	v0 =	vmul.u32 $0x3, v0;
	v2 =	vunpack.c.l.s4.s8 v1;
	v1 =	vimm.s32 $0x63052741;
	s10 =	sshrl.u32 s5, $0x1;
	s11 =	smul.u32 $0x60, s6;
	s8 =	sadd.s32 s8, s7  }
0xb: {  	v6 =	vunpack.c.l.s4.s8 v3;
	v4 =	vunpack.c.l.s4.s8 v1;
	s9 =	sadd.s32 s9, s7;
	s10 =	ssub.s32 s5, s10;
	s5 =	sadd.s32 $0x1C00, s8  }
0xc: {  	v1 =	vimm.f32 $0.0e+00;
	v2 =	vunpack.c.0.s8.s32 v2;
	v3 =	vadd.s32 $0x1, v0;
	s6 =	sadd.s32 $0x1800, s8;
	s7 =	sadd.s32 s7, s11;
	s8 =	sadd.s32 $0x2000, s9  }
0xd: {  	v5 =	vadd.s32 $0x2, v0;
	v6 =	vunpack.c.0.s8.s32 v6;
	v4 =	vunpack.c.0.s8.s32 v4;
	s9 =	sadd.s32 $0x2002, s9;
	s10 =	smax.u32 s10, $0x1;
	s11 =	simm.s32 $0x100  }
.LBB2_1:
0xe: {  	[tilespmem:s3], [sflag:$0x1] =	stream.linear.gather [hbm4b:s5+s3], $0x100, $0x38;
	[tilespmem:$0x8520] =	vst v63  }
0xf: {  	_ = 	snop  }
0x10: {  	[tilespmem:s11], [sflag:$0x1] =	stream.linear.gather [hbm4b:s2+s3], $0x2000, $0x38;
	[tilespmem:$0x8520] =	vst v63  }
0x11: {  	_ = 	snop  }
0x12: {  	[tilespmem:s12], [sflag:$0x1] =	stream.linear.gather [hbm4b:s4+s3], $0x6000, $0x38;
	[tilespmem:$0x8520] =	vst v63  }
0x13: {  	s19 =	simm.s32 $0x8100  }
0x14: {  	[tilespmem:s19], [sflag:$0x1] =	stream.linear.gather [hbm4b:s6+s3], $0x100, $0x38;
	[tilespmem:$0x8520] =	vst v63  }
0x15: {  	_ = 	snop  }
0x16: {  	[tilespmem:s13], [sflag:$0x1] =	stream.linear.gather [hbm4b:s7+s3], $0x300, $0x38;
	[tilespmem:$0x8520] =	vst v63  }
0x17: {  	_ =	swait.ge [sflag:s14], $0x100  }
0x18: {  	[sflag:s14] =	ssyncset.done $0x0  }
0x19: {  	[sflag:s14] =	ssyncadd.s32 $0xFFFFFF00  }
0x1a: {  	_ =	swait.ge [sflag:s14], $0x2000  }
0x1b: {  	[sflag:s14] =	ssyncset.done $0x0  }
0x1c: {  	[sflag:s14] =	ssyncadd.s32 $0xFFFFE000  }
0x1d: {  	_ =	swait.ge [sflag:s14], $0x6000  }
0x1e: {  	[sflag:s14] =	ssyncset.done $0x0  }
0x1f: {  	[sflag:s14] =	ssyncadd.s32 $0xFFFFA000  }
0x20: {  	_ =	swait.ge [sflag:s14], $0x100  }
0x21: {  	[sflag:s14] =	ssyncset.done $0x0  }
0x22: {  	[sflag:s14] =	ssyncadd.s32 $0xFFFFFF00  }
0x23: {  	_ =	swait.ge [sflag:s14], $0x300  }
0x24: {  	[sflag:s14] =	ssyncset.done $0x0  }
0x25: {  	[sflag:s14] =	ssyncadd.s32 $0xFFFFFD00  }
0x26: {  	[tilespmem:$0x8500] =	vst v1  }
0x27: {  	[tilespmem:$0x8510] =	vst v1  }
0x28: {  	v7 =	vld [tilespmem:s3+$0x0];
	_ =	sdelay $0x6  }
0x29: {  	v10 =	vld [tilespmem:s19+$0x0]  }
0x2a: {  	v9 =	vmov s3;
	v8 =	vld.idx.msk [tilespmem:v7+s11+$0x0], $0xffff  }
0x2b: {  	v9 =	vmul.u32 $0x3, v9;
	_ =	sdelay $0x1  }
0x2c: {  	v9 =	vbroadcast v9, $0x0;
	v11 =	vld [tilespmem:$0x8500];
	_ =	sdelay $0x1  }
0x2d: {  	v12 =	vadd.s32 v0, v9;
	v7 =	vmul.u32 $0x3, v7;
	v8 =	vsub.f32 v8, v10  }
0x2e: {  	v10 =	vand.u32 $0xFFFFFFF8, v12  }
0x2f: {  	v10 =	vor.u32 v2, v10;
	v8 =	vand.u32 $0x7FFFFFFF, v8  }
0x30: {  	v8 =	vadd.f32 v8, v11;
	_ =	sdelay $0x1  }
0x31: {  	[tilespmem:$0x8500] =	vst v8  }
0x32: {  	v8 =	vld.idx.msk [tilespmem:v7+s12+$0x0], $0xffff  }
0x33: {  	v10 =	vld.idx.msk [tilespmem:v10+s13+$0x0], $0xffff;
	_ =	sdelay $0x2  }
0x34: {  	v11 =	vld [tilespmem:$0x8510];
	_ =	sdelay $0x1  }
0x35: {  	v62 =	vadd.s32 v3, v9;
	v8 =	vsub.f32 v8, v10  }
0x36: {  	v63 =	vadd.s32 $0x1, v7;
	v10 =	vand.u32 $0xFFFFFFF8, v62  }
0x37: {  	v10 =	vor.u32 v4, v10;
	v8 =	vand.u32 $0x7FFFFFFF, v8  }
0x38: {  	v8 =	vadd.f32 v8, v11;
	_ =	sdelay $0x1  }
0x39: {  	[tilespmem:$0x8510] =	vst v8  }
0x3a: {  	v11 =	vld.idx.msk [tilespmem:v63+s12+$0x0], $0xffff  }
0x3b: {  	v10 =	vld.idx.msk [tilespmem:v10+s13+$0x0], $0xffff;
	_ =	sdelay $0x4  }
0x3c: {  	v9 =	vadd.s32 v5, v9;
	v10 =	vsub.f32 v11, v10  }
0x3d: {  	v9 =	vand.u32 $0xFFFFFFF8, v9;
	v11 =	vadd.s32 $0x2, v7  }
0x3e: {  	v9 =	vor.u32 v6, v9;
	v7 =	vand.u32 $0x7FFFFFFF, v10  }
0x3f: {  	v7 =	vadd.f32 v7, v8;
	_ =	sdelay $0x1  }
0x40: {  	[tilespmem:$0x8510] =	vst v7  }
0x41: {  	v8 =	vld.idx.msk [tilespmem:v11+s12+$0x0], $0xffff  }
0x42: {  	v9 =	vld.idx.msk [tilespmem:v9+s13+$0x0], $0xffff;
	_ =	sdelay $0x4  }
0x43: {  	s22 =	simm.s32 $0x10;
	s20 =	simm.s32 $0x0;
	v8 =	vsub.f32 v8, v9  }
.LBB2_2:
0x44: {  	s21 =	smov.u32 s22  }
0x45: {  	v9 =	vmov s22;
	s20 =	sadd.s32 $0x10, s20;
	s19 =	sadd.s32 $0x10, s19;
	v8 =	vand.u32 $0x7FFFFFFF, v8;
	s21 =	sadd.s32 $0x10, s22  }
0x46: {  	p0 =	sne.s32 s22, $0xF0;
	v9 =	vmul.u32 $0x3, v9;
	v7 =	vadd.f32 v8, v7;
	_ =	sdelay $0x1  }
0x47: {  	v8 =	vbroadcast v9, $0x0;
	[tilespmem:$0x8510] =	vst v7  }
0x48: {  	v7 =	vld [tilespmem:s20+$0x0]  }
0x49: {  	v9 =	vadd.s32 v0, v8;
	v10 =	vadd.s32 v3, v8;
	v8 =	vadd.s32 v5, v8  }
0x4a: {  	v9 =	vand.u32 $0xFFFFFFF8, v9;
	v10 =	vand.u32 $0xFFFFFFF8, v10;
	v8 =	vand.u32 $0xFFFFFFF8, v8;
	_ =	sdelay $0x5  }
0x4b: {  	v11 =	vld.idx.msk [tilespmem:v7+s11+$0x0], $0xffff  }
0x4c: {  	v12 =	vld [tilespmem:s19+$0x0];
	_ =	sdelay $0x2  }
0x4d: {  	v13 =	vld [tilespmem:$0x8500];
	_ =	sdelay $0x1  }
0x4e: {  	v7 =	vmul.u32 $0x3, v7;
	v11 =	vsub.f32 v11, v12  }
0x4f: {  	v9 =	vor.u32 v2, v9  }
0x50: {  	v11 =	vand.u32 $0x7FFFFFFF, v11  }
0x51: {  	v11 =	vadd.f32 v11, v13;
	_ =	sdelay $0x1  }
0x52: {  	[tilespmem:$0x8500] =	vst v11  }
0x53: {  	v11 =	vld.idx.msk [tilespmem:v7+s12+$0x0], $0xffff  }
0x54: {  	v9 =	vld.idx.msk [tilespmem:v9+s13+$0x0], $0xffff;
	_ =	sdelay $0x2  }
0x55: {  	v12 =	vld [tilespmem:$0x8510];
	_ =	sdelay $0x2  }
0x56: {  	v9 =	vsub.f32 v11, v9  }
0x57: {  	v10 =	vor.u32 v4, v10;
	v11 =	vadd.s32 $0x1, v7  }
0x58: {  	v9 =	vand.u32 $0x7FFFFFFF, v9  }
0x59: {  	v9 =	vadd.f32 v9, v12;
	_ =	sdelay $0x1  }
0x5a: {  	[tilespmem:$0x8510] =	vst v9  }
0x5b: {  	v11 =	vld.idx.msk [tilespmem:v11+s12+$0x0], $0xffff  }
0x5c: {  	v10 =	vld.idx.msk [tilespmem:v10+s13+$0x0], $0xffff;
	_ =	sdelay $0x5  }
0x5d: {  	v10 =	vsub.f32 v11, v10  }
0x5e: {  	v8 =	vor.u32 v6, v8;
	v11 =	vadd.s32 $0x2, v7  }
0x5f: {  	v7 =	vand.u32 $0x7FFFFFFF, v10  }
0x60: {  	v7 =	vadd.f32 v7, v9;
	_ =	sdelay $0x1  }
0x61: {  	[tilespmem:$0x8510] =	vst v7  }
0x62: {  	v9 =	vld.idx.msk [tilespmem:v11+s12+$0x0], $0xffff  }
0x63: {  	v8 =	vld.idx.msk [tilespmem:v8+s13+$0x0], $0xffff;
	_ =	sdelay $0x1  }
.Ltmp0:
0x64: {  	(pc) =	sbr.rel @p0 .LBB2_2-.Ltmp0, $2  }
0x65: {  	_ =	sdelay $0x2  }
0x66: {  	s22 =	smov.u32 s21;
	v8 =	vsub.f32 v9, v8  }
0x67: {  	_ = 	snop  }
0x68: {  	v8 =	vand.u32 $0x7FFFFFFF, v8  }
0x69: {  	v7 =	vadd.f32 v8, v7;
	_ =	sdelay $0x1  }
0x6a: {  	[tilespmem:$0x8510] =	vst v7  }
0x6b: {  	[hbm4b:s8+s3] =	stream.linear.scatter [tilespmem:s15], [sflag:$0x2], $0x10, $0x38;
	[tilespmem:$0x8520] =	vst v63  }
0x6c: {  	s18 =	sadd.s32 $0x1, s18;
	_ =	swait.ge [sflag:s16], $0x10  }
0x6d: {  	p0 =	sne.s32 s18, s10;
	[sflag:s16] =	ssyncset.done $0x0  }
.Ltmp1:
0x6e: {  	[sflag:s16] =	ssyncadd.s32 $0xFFFFFFF0;
	(pc) =	sbr.rel @p0 .LBB2_1-.Ltmp1, $4  }
0x6f: {  	[hbm4b:s9+s3] =	stream.linear.scatter [tilespmem:s17], [sflag:$0x2], $0x10, $0x38;
	[tilespmem:$0x8520] =	vst v63  }
0x70: {  	_ =	swait.ge [sflag:s16], $0x10  }
0x71: {  	[sflag:s16] =	ssyncset.done $0x0  }
0x72: {  	[sflag:s16] =	ssyncadd.s32 $0xFFFFFFF0  }
0x73: {  	_ =	sfence.sel $0x180000  }
0x74: {  	[bflag:$0x0] =	sbarrier.arrive $0xFFFF  }
0x75: {  	p0 =	sne.s32 s1, $0x0;
	_ =	strace $0x90000047  }
0x76: {  	s0 =	sadd.s32 @!p0 $0x100000, s0;
	[bflag:$0x2] =	sbarrier.arrive $0xFFFF  }
0x77: {  	[sflag:s0] =	ssyncadd.tile.s32 @!p0 $0x1;
	_ =	shalt  }
.Lfunc_end2:
_tile_overlayer_lowered:
.L_overlay_start_2:
0x78: {  	(tag) =	ssettag $0x2  }
0x79: {  	s0 =	rddreg [dreg:$0x0];
	s2 =	stileid.u32  }
0x7a: {  	s1 =	rddreg [dreg:$0x1];
	p0 =	sne.s32 s2, $0x0  }
0x7b: {  	s3 =	rddreg [dreg:$0x2];
	[bflag:$0x3] =	sbarrier.arrive $0xFFFF;
	s2 =	simm.s32 @!p0 $0x1C02  }
0x7c: {  	[timem:s3], [sflag:s2] =	dma.local @!p0 [hbm:s0], s1  }
0x7d: {  	s0 =	simm.s32 @!p0 $0x2  }
0x7e: {  	_ =	swait.ge @!p0 [sflag:s0], s1  }
0x7f: {  	s1 =	ssub.s32 @!p0 $0x0, s1;
	[sflag:s0] =	ssyncset.done @!p0 $0x0  }
0x80: {  	[sflag:s0] =	ssyncadd.s32 @!p0 s1  }
0x81: {  	[bflag:$0x3] =	sbarrier.arrive $0xFFFF  }
0x82: {  	_ =	shalt  }

</sc_bundles>
